<compile_context>
chip_gen: v7x
topology: tpu7x:2x2x1
jax: 0.10.2.dev20260603
libtpu: 0.0.44.dev20260713+nightly
codegen_flags: <defaults>
</compile_context>

<pallas_src>
import functools

import jax
import jax.numpy as jnp
from jax import lax
from jax.experimental import pallas as pl
from jax.experimental.pallas import tpu as pltpu
from jax.experimental.pallas import tpu_sc as plsc

_T = 1000
_B = 16384
_NC = 1
_NS = 16
_NW = _NC * _NS
_BW = _B // _NW
_L = 16


def _sc_lookup(ab, sig, s2, beta, t):
    mesh = plsc.VectorSubcoreMesh(core_axis_name="c", subcore_axis_name="s",
                                  num_cores=_NC)

    @functools.partial(
        pl.kernel,
        mesh=mesh,
        out_type=jax.ShapeDtypeStruct((4, _B), jnp.float32),
        compiler_params=pltpu.CompilerParams(needs_layout_passes=False),
        scratch_types=[
            pltpu.VMEM((_T,), jnp.float32),
            pltpu.VMEM((_T,), jnp.float32),
            pltpu.VMEM((_T,), jnp.float32),
            pltpu.VMEM((_T,), jnp.float32),
            pltpu.VMEM((_BW,), jnp.int32),
            pltpu.VMEM((4, _BW), jnp.float32),
            pltpu.SemaphoreType.DMA,
        ],
    )
    def body(ab_h, sig_h, s2_h, beta_h, t_h, out_h,
             ab_v, sig_v, s2_v, beta_v, idx_v, o4, sem):
        wid = lax.axis_index("s") * _NC + lax.axis_index("c")
        base = wid * _BW
        copies = [
            pltpu.async_copy(t_h.at[pl.ds(base, _BW)], idx_v, sem),
            pltpu.async_copy(ab_h, ab_v, sem),
            pltpu.async_copy(sig_h, sig_v, sem),
            pltpu.async_copy(s2_h, s2_v, sem),
            pltpu.async_copy(beta_h, beta_v, sem),
        ]
        for c in copies:
            c.wait()

        half = _BW // 2
        outs = []
        for h in range(2):
            @plsc.parallel_loop(h * (half // _L), (h + 1) * (half // _L),
                                unroll=4)
            def _(i):
                sl = pl.ds(i * _L, _L)
                iv = idx_v[sl]
                o4[0, sl] = plsc.load_gather(ab_v, [iv])
                o4[1, sl] = plsc.load_gather(sig_v, [iv])
                o4[2, sl] = plsc.load_gather(s2_v, [iv])
                o4[3, sl] = plsc.load_gather(beta_v, [iv])
            hb = h * half
            outs.append(pltpu.async_copy(
                o4.at[:, pl.ds(hb, half)],
                out_h.at[:, pl.ds(base + hb, half)], sem))
        for c in outs:
            c.wait()

    return body(ab, sig, s2, beta, t)


@jax.jit
def kernel(alpha_bar_table, sigma_table, sigma_sq_table, beta_table, t):
    return _sc_lookup(alpha_bar_table, sigma_table, sigma_sq_table,
                      beta_table, t.astype(jnp.int32))

# --- scband reference (transcript-rebuilt; emitter-appended) ---
"""Pipeline reference for scband-cosine-schedule-23012434772664 (READ-ONLY COPY).

The authoritative reference and input builder live on the scoring server;
editing this copy changes nothing except your own understanding.
"""

import math
import jax, jax.numpy as jnp
import numpy as np

T = 1000
S_OFFSET = 0.008
BATCH = 16384


def _build_tables(T_steps=T, s=S_OFFSET):
    steps = np.arange(T_steps, dtype=np.float64)
    f_t = np.cos((steps / T_steps + s) / (1.0 + s) * (math.pi / 2.0)) ** 2
    alpha_bar = f_t / f_t[0]
    alpha_bar = np.clip(alpha_bar, 1e-08, 1.0)
    sigma_sq = np.clip(1.0 - alpha_bar ** 2, 0.0, None)
    sigma = np.sqrt(sigma_sq)
    alpha_bar_prev = np.concatenate([np.array([1.0], dtype=np.float64), alpha_bar[:-1]])
    alpha_t = alpha_bar / alpha_bar_prev
    beta = np.clip(1.0 - alpha_t, 0.0, 0.999)
    return (alpha_bar.astype(np.float32), sigma.astype(np.float32),
            sigma_sq.astype(np.float32), beta.astype(np.float32))


def setup_inputs(seed: int = 0) -> dict:
    key = jax.random.key(seed)
    ab, sig, s2, beta = _build_tables()
    t = jax.random.randint(key, (BATCH,), 0, T)
    return {
        "alpha_bar_table": jnp.asarray(ab),
        "sigma_table": jnp.asarray(sig),
        "sigma_sq_table": jnp.asarray(s2),
        "beta_table": jnp.asarray(beta),
        "t": t,
    }


def reference(alpha_bar_table, sigma_table, sigma_sq_table, beta_table, t):
    # Faithful translation of the schedule's buffer lookups:
    # alpha_bar(t), sigma(t), sigma_squared(t), beta(t), each a gather
    # from a precomputed buffer indexed by long timestep indices.
    idx = t.astype(jnp.int32)
    ab = jnp.take(alpha_bar_table, idx, axis=0)
    sig = jnp.take(sigma_table, idx, axis=0)
    s2 = jnp.take(sigma_sq_table, idx, axis=0)
    beta = jnp.take(beta_table, idx, axis=0)
    return jnp.stack([ab, sig, s2, beta], axis=0)

if __name__ == "__main__":
    import jax
    _d = setup_inputs()
    print(jax.jit(kernel)(*tuple(_d.values())))

</pallas_src>

<mosaic_0001>
#map = affine_map<(d0, d1) -> (0)>
#map1 = affine_map<(d0, d1) -> (0, 0)>
module attributes {stable_mosaic.version = 14 : i64} {
  func.func @body(%arg0: i32, %arg1: i32, %arg2: memref<1000xf32, #tpu.memory_space<hbm>>, %arg3: memref<1000xf32, #tpu.memory_space<hbm>>, %arg4: memref<1000xf32, #tpu.memory_space<hbm>>, %arg5: memref<1000xf32, #tpu.memory_space<hbm>>, %arg6: memref<16384xi32, #tpu.memory_space<hbm>>, %arg7: memref<4x16384xf32, #tpu.memory_space<hbm>>, %arg8: memref<1000xf32, #tpu.memory_space<vmem>>, %arg9: memref<1000xf32, #tpu.memory_space<vmem>>, %arg10: memref<1000xf32, #tpu.memory_space<vmem>>, %arg11: memref<1000xf32, #tpu.memory_space<vmem>>, %arg12: memref<1024xi32, #tpu.memory_space<vmem>>, %arg13: memref<4x1024xf32, #tpu.memory_space<vmem>>, %arg14: memref<!tpu.dma_semaphore, #tpu.memory_space<semaphore_mem>>) attributes {dimension_semantics = [#tpu.dimension_semantics<core_parallel>, #tpu.dimension_semantics<subcore_parallel>], iteration_bounds = array<i64: 1, 16>, scalar_prefetch = 0 : i64, scratch_operands = 7 : i64, tpu.core_type = #tpu.core_type<sc_vector_subcore>, window_params = [{transform_indices = #map}, {transform_indices = #map}, {transform_indices = #map}, {transform_indices = #map}, {transform_indices = #map}, {transform_indices = #map1}]} {
    %mul3A = arith.constant 1 : i32
    %mul3A_0 = arith.muli %arg1, %mul3A : i32
    %add3A = arith.addi %mul3A_0, %arg0 : i32
    %mul3A_1 = arith.constant 1024 : i32
    %mul3A_2 = arith.muli %add3A, %mul3A_1 : i32
    %dma_start3A = tpu.memref_slice %arg6[%mul3A_2] : memref<16384xi32, #tpu.memory_space<hbm>> -> memref<1024xi32, #tpu.memory_space<hbm>>
    %dma_start3A_3 = tpu.memref_slice %arg6[%mul3A_2] : memref<16384xi32, #tpu.memory_space<hbm>> -> memref<1024xi32, #tpu.memory_space<hbm>>
    tpu.enqueue_dma source(%dma_start3A_3 : memref<1024xi32, #tpu.memory_space<hbm>>) target(%arg12 : memref<1024xi32, #tpu.memory_space<vmem>>) target_semaphore(%arg14 : memref<!tpu.dma_semaphore, #tpu.memory_space<semaphore_mem>>)
    tpu.enqueue_dma source(%arg2 : memref<1000xf32, #tpu.memory_space<hbm>>) target(%arg8 : memref<1000xf32, #tpu.memory_space<vmem>>) target_semaphore(%arg14 : memref<!tpu.dma_semaphore, #tpu.memory_space<semaphore_mem>>)
    tpu.enqueue_dma source(%arg3 : memref<1000xf32, #tpu.memory_space<hbm>>) target(%arg9 : memref<1000xf32, #tpu.memory_space<vmem>>) target_semaphore(%arg14 : memref<!tpu.dma_semaphore, #tpu.memory_space<semaphore_mem>>)
    tpu.enqueue_dma source(%arg4 : memref<1000xf32, #tpu.memory_space<hbm>>) target(%arg10 : memref<1000xf32, #tpu.memory_space<vmem>>) target_semaphore(%arg14 : memref<!tpu.dma_semaphore, #tpu.memory_space<semaphore_mem>>)
    tpu.enqueue_dma source(%arg5 : memref<1000xf32, #tpu.memory_space<hbm>>) target(%arg11 : memref<1000xf32, #tpu.memory_space<vmem>>) target_semaphore(%arg14 : memref<!tpu.dma_semaphore, #tpu.memory_space<semaphore_mem>>)
    %dma_wait3A = tpu.memref_slice %arg6[%mul3A_2] : memref<16384xi32, #tpu.memory_space<hbm>> -> memref<1024xi32, #tpu.memory_space<hbm>>
    %dma_wait3A_4 = tpu.memref_slice %arg6[%mul3A_2] : memref<16384xi32, #tpu.memory_space<hbm>> -> memref<1024xi32, #tpu.memory_space<hbm>>
    tpu.wait_dma2 semaphore(%arg14 : memref<!tpu.dma_semaphore, #tpu.memory_space<semaphore_mem>>) src(%dma_wait3A_4 : memref<1024xi32, #tpu.memory_space<hbm>>) dst(%arg12 : memref<1024xi32, #tpu.memory_space<vmem>>)
    tpu.wait_dma2 semaphore(%arg14 : memref<!tpu.dma_semaphore, #tpu.memory_space<semaphore_mem>>) src(%arg2 : memref<1000xf32, #tpu.memory_space<hbm>>) dst(%arg8 : memref<1000xf32, #tpu.memory_space<vmem>>)
    tpu.wait_dma2 semaphore(%arg14 : memref<!tpu.dma_semaphore, #tpu.memory_space<semaphore_mem>>) src(%arg3 : memref<1000xf32, #tpu.memory_space<hbm>>) dst(%arg9 : memref<1000xf32, #tpu.memory_space<vmem>>)
    tpu.wait_dma2 semaphore(%arg14 : memref<!tpu.dma_semaphore, #tpu.memory_space<semaphore_mem>>) src(%arg4 : memref<1000xf32, #tpu.memory_space<hbm>>) dst(%arg10 : memref<1000xf32, #tpu.memory_space<vmem>>)
    tpu.wait_dma2 semaphore(%arg14 : memref<!tpu.dma_semaphore, #tpu.memory_space<semaphore_mem>>) src(%arg5 : memref<1000xf32, #tpu.memory_space<hbm>>) dst(%arg11 : memref<1000xf32, #tpu.memory_space<vmem>>)
    %parallel_loop3A = arith.constant 0 : i32
    %parallel_loop3A_5 = arith.constant 32 : i32
    %parallel_loop3A_6 = arith.constant 1 : i32
    scf.for %parallel_loop3A_54 = %parallel_loop3A to %parallel_loop3A_5 step %parallel_loop3A_6  : i32 {
      %parallel_loop3A_55 = arith.constant 16 : i32
      %parallel_loop3A_56 = arith.muli %parallel_loop3A_54, %parallel_loop3A_55 : i32
      %parallel_loop3A_57 = arith.index_cast %parallel_loop3A_56 : i32 to index
      %parallel_loop3A_58 = tpu.vector_load %arg12[%parallel_loop3A_57] {strides = array<i32>} : memref<1024xi32, #tpu.memory_space<vmem>>, vector<16xi32>,
      %parallel_loop3A_59 = tpu.vector_load_idx %arg8[%parallel_loop3A_58] : memref<1000xf32, #tpu.memory_space<vmem>>[vector<16xi32>], vector<16xf32>,
      %parallel_loop3A_60 = arith.constant 0 : i32
      %parallel_loop3A_61 = arith.index_cast %parallel_loop3A_60 : i32 to index
      %parallel_loop3A_62 = arith.index_cast %parallel_loop3A_56 : i32 to index
      %parallel_loop3A_63 = tpu.vector_load %arg13[%parallel_loop3A_61, %parallel_loop3A_62] {strides = array<i32>} : memref<4x1024xf32, #tpu.memory_space<vmem>>, vector<16xf32>,
      tpu.vector_store %arg13[%parallel_loop3A_61, %parallel_loop3A_62], %parallel_loop3A_59 {strides = array<i32>} : memref<4x1024xf32, #tpu.memory_space<vmem>>, vector<16xf32>,
      %parallel_loop3A_64 = tpu.vector_load_idx %arg9[%parallel_loop3A_58] : memref<1000xf32, #tpu.memory_space<vmem>>[vector<16xi32>], vector<16xf32>,
      %parallel_loop3A_65 = arith.constant 1 : i32
      %parallel_loop3A_66 = arith.index_cast %parallel_loop3A_65 : i32 to index
      %parallel_loop3A_67 = arith.index_cast %parallel_loop3A_56 : i32 to index
      %parallel_loop3A_68 = tpu.vector_load %arg13[%parallel_loop3A_66, %parallel_loop3A_67] {strides = array<i32>} : memref<4x1024xf32, #tpu.memory_space<vmem>>, vector<16xf32>,
      tpu.vector_store %arg13[%parallel_loop3A_66, %parallel_loop3A_67], %parallel_loop3A_64 {strides = array<i32>} : memref<4x1024xf32, #tpu.memory_space<vmem>>, vector<16xf32>,
      %parallel_loop3A_69 = tpu.vector_load_idx %arg10[%parallel_loop3A_58] : memref<1000xf32, #tpu.memory_space<vmem>>[vector<16xi32>], vector<16xf32>,
      %parallel_loop3A_70 = arith.constant 2 : i32
      %parallel_loop3A_71 = arith.index_cast %parallel_loop3A_70 : i32 to index
      %parallel_loop3A_72 = arith.index_cast %parallel_loop3A_56 : i32 to index
      %parallel_loop3A_73 = tpu.vector_load %arg13[%parallel_loop3A_71, %parallel_loop3A_72] {strides = array<i32>} : memref<4x1024xf32, #tpu.memory_space<vmem>>, vector<16xf32>,
      tpu.vector_store %arg13[%parallel_loop3A_71, %parallel_loop3A_72], %parallel_loop3A_69 {strides = array<i32>} : memref<4x1024xf32, #tpu.memory_space<vmem>>, vector<16xf32>,
      %parallel_loop3A_74 = tpu.vector_load_idx %arg11[%parallel_loop3A_58] : memref<1000xf32, #tpu.memory_space<vmem>>[vector<16xi32>], vector<16xf32>,
      %parallel_loop3A_75 = arith.constant 3 : i32
      %parallel_loop3A_76 = arith.index_cast %parallel_loop3A_75 : i32 to index
      %parallel_loop3A_77 = arith.index_cast %parallel_loop3A_56 : i32 to index
      %parallel_loop3A_78 = tpu.vector_load %arg13[%parallel_loop3A_76, %parallel_loop3A_77] {strides = array<i32>} : memref<4x1024xf32, #tpu.memory_space<vmem>>, vector<16xf32>,
      tpu.vector_store %arg13[%parallel_loop3A_76, %parallel_loop3A_77], %parallel_loop3A_74 {strides = array<i32>} : memref<4x1024xf32, #tpu.memory_space<vmem>>, vector<16xf32>,
    } {sc.loop_unroll_factor = 4 : i64, sc.parallel_access}
    %add3A_7 = arith.constant 0 : i32
    %add3A_8 = arith.addi %mul3A_2, %add3A_7 : i32
    %dma_start3A_9 = arith.constant 0 : i32
    %dma_start3A_10 = arith.constant 0 : i32
    %dma_start3A_11 = tpu.memref_slice %arg13[%dma_start3A_9, %dma_start3A_10] : memref<4x1024xf32, #tpu.memory_space<vmem>> -> memref<4x512xf32, #tpu.memory_space<vmem>>
    %dma_start3A_12 = arith.constant 0 : i32
    %dma_start3A_13 = tpu.memref_slice %arg7[%dma_start3A_12, %add3A_8] : memref<4x16384xf32, #tpu.memory_space<hbm>> -> memref<4x512xf32, #tpu.memory_space<hbm>>
    %dma_start3A_14 = arith.constant 0 : i32
    %dma_start3A_15 = tpu.memref_slice %arg7[%dma_start3A_14, %add3A_8] : memref<4x16384xf32, #tpu.memory_space<hbm>> -> memref<4x512xf32, #tpu.memory_space<hbm>>
    %dma_start3A_16 = arith.constant 0 : i32
    %dma_start3A_17 = arith.constant 0 : i32
    %dma_start3A_18 = tpu.memref_slice %arg13[%dma_start3A_16, %dma_start3A_17] : memref<4x1024xf32, #tpu.memory_space<vmem>> -> memref<4x512xf32, #tpu.memory_space<vmem>>
    tpu.enqueue_dma source(%dma_start3A_18 : memref<4x512xf32, #tpu.memory_space<vmem>>) target(%dma_start3A_15 : memref<4x512xf32, #tpu.memory_space<hbm>>) target_semaphore(%arg14 : memref<!tpu.dma_semaphore, #tpu.memory_space<semaphore_mem>>)
    %parallel_loop3A_19 = arith.constant 32 : i32
    %parallel_loop3A_20 = arith.constant 64 : i32
    %parallel_loop3A_21 = arith.constant 1 : i32
    scf.for %parallel_loop3A_54 = %parallel_loop3A_19 to %parallel_loop3A_20 step %parallel_loop3A_21  : i32 {
      %parallel_loop3A_55 = arith.constant 16 : i32
      %parallel_loop3A_56 = arith.muli %parallel_loop3A_54, %parallel_loop3A_55 : i32
      %parallel_loop3A_57 = arith.index_cast %parallel_loop3A_56 : i32 to index
      %parallel_loop3A_58 = tpu.vector_load %arg12[%parallel_loop3A_57] {strides = array<i32>} : memref<1024xi32, #tpu.memory_space<vmem>>, vector<16xi32>,
      %parallel_loop3A_59 = tpu.vector_load_idx %arg8[%parallel_loop3A_58] : memref<1000xf32, #tpu.memory_space<vmem>>[vector<16xi32>], vector<16xf32>,
      %parallel_loop3A_60 = arith.constant 0 : i32
      %parallel_loop3A_61 = arith.index_cast %parallel_loop3A_60 : i32 to index
      %parallel_loop3A_62 = arith.index_cast %parallel_loop3A_56 : i32 to index
      %parallel_loop3A_63 = tpu.vector_load %arg13[%parallel_loop3A_61, %parallel_loop3A_62] {strides = array<i32>} : memref<4x1024xf32, #tpu.memory_space<vmem>>, vector<16xf32>,
      tpu.vector_store %arg13[%parallel_loop3A_61, %parallel_loop3A_62], %parallel_loop3A_59 {strides = array<i32>} : memref<4x1024xf32, #tpu.memory_space<vmem>>, vector<16xf32>,
      %parallel_loop3A_64 = tpu.vector_load_idx %arg9[%parallel_loop3A_58] : memref<1000xf32, #tpu.memory_space<vmem>>[vector<16xi32>], vector<16xf32>,
      %parallel_loop3A_65 = arith.constant 1 : i32
      %parallel_loop3A_66 = arith.index_cast %parallel_loop3A_65 : i32 to index
      %parallel_loop3A_67 = arith.index_cast %parallel_loop3A_56 : i32 to index
      %parallel_loop3A_68 = tpu.vector_load %arg13[%parallel_loop3A_66, %parallel_loop3A_67] {strides = array<i32>} : memref<4x1024xf32, #tpu.memory_space<vmem>>, vector<16xf32>,
      tpu.vector_store %arg13[%parallel_loop3A_66, %parallel_loop3A_67], %parallel_loop3A_64 {strides = array<i32>} : memref<4x1024xf32, #tpu.memory_space<vmem>>, vector<16xf32>,
      %parallel_loop3A_69 = tpu.vector_load_idx %arg10[%parallel_loop3A_58] : memref<1000xf32, #tpu.memory_space<vmem>>[vector<16xi32>], vector<16xf32>,
      %parallel_loop3A_70 = arith.constant 2 : i32
      %parallel_loop3A_71 = arith.index_cast %parallel_loop3A_70 : i32 to index
      %parallel_loop3A_72 = arith.index_cast %parallel_loop3A_56 : i32 to index
      %parallel_loop3A_73 = tpu.vector_load %arg13[%parallel_loop3A_71, %parallel_loop3A_72] {strides = array<i32>} : memref<4x1024xf32, #tpu.memory_space<vmem>>, vector<16xf32>,
      tpu.vector_store %arg13[%parallel_loop3A_71, %parallel_loop3A_72], %parallel_loop3A_69 {strides = array<i32>} : memref<4x1024xf32, #tpu.memory_space<vmem>>, vector<16xf32>,
      %parallel_loop3A_74 = tpu.vector_load_idx %arg11[%parallel_loop3A_58] : memref<1000xf32, #tpu.memory_space<vmem>>[vector<16xi32>], vector<16xf32>,
      %parallel_loop3A_75 = arith.constant 3 : i32
      %parallel_loop3A_76 = arith.index_cast %parallel_loop3A_75 : i32 to index
      %parallel_loop3A_77 = arith.index_cast %parallel_loop3A_56 : i32 to index
      %parallel_loop3A_78 = tpu.vector_load %arg13[%parallel_loop3A_76, %parallel_loop3A_77] {strides = array<i32>} : memref<4x1024xf32, #tpu.memory_space<vmem>>, vector<16xf32>,
      tpu.vector_store %arg13[%parallel_loop3A_76, %parallel_loop3A_77], %parallel_loop3A_74 {strides = array<i32>} : memref<4x1024xf32, #tpu.memory_space<vmem>>, vector<16xf32>,
    } {sc.loop_unroll_factor = 4 : i64, sc.parallel_access}
    %add3A_22 = arith.constant 512 : i32
    %add3A_23 = arith.addi %mul3A_2, %add3A_22 : i32
    %dma_start3A_24 = arith.constant 0 : i32
    %dma_start3A_25 = arith.constant 512 : i32
    %dma_start3A_26 = tpu.memref_slice %arg13[%dma_start3A_24, %dma_start3A_25] : memref<4x1024xf32, #tpu.memory_space<vmem>> -> memref<4x512xf32, #tpu.memory_space<vmem>>
    %dma_start3A_27 = arith.constant 0 : i32
    %dma_start3A_28 = tpu.memref_slice %arg7[%dma_start3A_27, %add3A_23] : memref<4x16384xf32, #tpu.memory_space<hbm>> -> memref<4x512xf32, #tpu.memory_space<hbm>>
    %dma_start3A_29 = arith.constant 0 : i32
    %dma_start3A_30 = tpu.memref_slice %arg7[%dma_start3A_29, %add3A_23] : memref<4x16384xf32, #tpu.memory_space<hbm>> -> memref<4x512xf32, #tpu.memory_space<hbm>>
    %dma_start3A_31 = arith.constant 0 : i32
    %dma_start3A_32 = arith.constant 512 : i32
    %dma_start3A_33 = tpu.memref_slice %arg13[%dma_start3A_31, %dma_start3A_32] : memref<4x1024xf32, #tpu.memory_space<vmem>> -> memref<4x512xf32, #tpu.memory_space<vmem>>
    tpu.enqueue_dma source(%dma_start3A_33 : memref<4x512xf32, #tpu.memory_space<vmem>>) target(%dma_start3A_30 : memref<4x512xf32, #tpu.memory_space<hbm>>) target_semaphore(%arg14 : memref<!tpu.dma_semaphore, #tpu.memory_space<semaphore_mem>>)
    %dma_wait3A_34 = arith.constant 0 : i32
    %dma_wait3A_35 = arith.constant 0 : i32
    %dma_wait3A_36 = tpu.memref_slice %arg13[%dma_wait3A_34, %dma_wait3A_35] : memref<4x1024xf32, #tpu.memory_space<vmem>> -> memref<4x512xf32, #tpu.memory_space<vmem>>
    %dma_wait3A_37 = arith.constant 0 : i32
    %dma_wait3A_38 = tpu.memref_slice %arg7[%dma_wait3A_37, %add3A_8] : memref<4x16384xf32, #tpu.memory_space<hbm>> -> memref<4x512xf32, #tpu.memory_space<hbm>>
    %dma_wait3A_39 = arith.constant 0 : i32
    %dma_wait3A_40 = tpu.memref_slice %arg7[%dma_wait3A_39, %add3A_8] : memref<4x16384xf32, #tpu.memory_space<hbm>> -> memref<4x512xf32, #tpu.memory_space<hbm>>
    %dma_wait3A_41 = arith.constant 0 : i32
    %dma_wait3A_42 = arith.constant 0 : i32
    %dma_wait3A_43 = tpu.memref_slice %arg13[%dma_wait3A_41, %dma_wait3A_42] : memref<4x1024xf32, #tpu.memory_space<vmem>> -> memref<4x512xf32, #tpu.memory_space<vmem>>
    tpu.wait_dma2 semaphore(%arg14 : memref<!tpu.dma_semaphore, #tpu.memory_space<semaphore_mem>>) src(%dma_wait3A_43 : memref<4x512xf32, #tpu.memory_space<vmem>>) dst(%dma_wait3A_40 : memref<4x512xf32, #tpu.memory_space<hbm>>)
    %dma_wait3A_44 = arith.constant 0 : i32
    %dma_wait3A_45 = arith.constant 512 : i32
    %dma_wait3A_46 = tpu.memref_slice %arg13[%dma_wait3A_44, %dma_wait3A_45] : memref<4x1024xf32, #tpu.memory_space<vmem>> -> memref<4x512xf32, #tpu.memory_space<vmem>>
    %dma_wait3A_47 = arith.constant 0 : i32
    %dma_wait3A_48 = tpu.memref_slice %arg7[%dma_wait3A_47, %add3A_23] : memref<4x16384xf32, #tpu.memory_space<hbm>> -> memref<4x512xf32, #tpu.memory_space<hbm>>
    %dma_wait3A_49 = arith.constant 0 : i32
    %dma_wait3A_50 = tpu.memref_slice %arg7[%dma_wait3A_49, %add3A_23] : memref<4x16384xf32, #tpu.memory_space<hbm>> -> memref<4x512xf32, #tpu.memory_space<hbm>>
    %dma_wait3A_51 = arith.constant 0 : i32
    %dma_wait3A_52 = arith.constant 512 : i32
    %dma_wait3A_53 = tpu.memref_slice %arg13[%dma_wait3A_51, %dma_wait3A_52] : memref<4x1024xf32, #tpu.memory_space<vmem>> -> memref<4x512xf32, #tpu.memory_space<vmem>>
    tpu.wait_dma2 semaphore(%arg14 : memref<!tpu.dma_semaphore, #tpu.memory_space<semaphore_mem>>) src(%dma_wait3A_53 : memref<4x512xf32, #tpu.memory_space<vmem>>) dst(%dma_wait3A_50 : memref<4x512xf32, #tpu.memory_space<hbm>>)
    return
  }
}

</mosaic_0001>

<sc_bundles>
// kernel: kernel.3.cloned.1.call-start
scs
__scs_entry_jumppad:
0x0: {  	(pc) =	sbr.rel $0x88, $3  }
0x1: {  	(tag) =	ssettag $0x0;
	lr =	simm.s32 $0x1  }
0x2: {  	[smem:$0x3F9C] =	sst lr;
	_ =	strace $0xD0000000  }
0x3: {  	_ = 	snop  }
0x4: {  	_ = 	snop  }
0x5: {  	_ = 	snop  }
0x6: {  	_ = 	snop  }
0x7: {  	_ = 	snop  }
__scs_overlays_trampoline_lowered:
0x8: {  	[smem:$0x3FAB] =	sst s0  }
0x9: {  	[smem:$0x3FAC] =	sst s1  }
0xa: {  	[smem:$0x3FAD] =	sst s2  }
0xb: {  	[smem:$0x3FAE] =	sst s3  }
0xc: {  	[smem:$0x3FAF] =	sst s4  }
0xd: {  	[smem:$0x3FB0] =	sst s5  }
0xe: {  	[smem:$0x3FB1] =	sst s6  }
0xf: {  	[smem:$0x3FB2] =	sst s7  }
0x10: {  	[smem:$0x3FB3] =	sst s8  }
0x11: {  	[smem:$0x3FB4] =	sst s9;
	s0 =	simm.s32 @!p0 $0x0  }
0x12: {  	s1 =	sld [smem:$0x3F9A];
	s0 =	simm.s32 @p0 $0x1  }
0x13: {  	[smem:$0x3FB5] =	sst s0;
	s0 =	simm.s32 @!p1 $0x0  }
0x14: {  	s2 =	sld [smem:$0x3F99];
	s0 =	simm.s32 @p1 $0x1  }
0x15: {  	[smem:$0x3FB6] =	sst s0;
	s0 =	simm.s32 @!p2 $0x0  }
0x16: {  	s3 =	sld [smem:$0x3FDB];
	s0 =	simm.s32 @p2 $0x1  }
0x17: {  	s4 =	simm.s32 $0x1BF5;
	[smem:$0x3FB8] =	sst s0  }
0x18: {  	s0 =	sld [smem:$0x3F9B];
	_ =	swait.ge [sflag:s4], $0x0  }
0x19: {  	s7 =	sld [smem:$0x3F9C]  }
0x1a: {  	s8 =	sadd.s32 $0xFFFFE003, lr  }
0x1b: {  	s9 =	sadd.s32 $0xFFFFFEF7, lr;
	s5 =	simm.s32 $0xFFFFFFFF;
	p2 =	slt.u32 s8, $0xFFFFF086  }
0x1c: {  	p1 =	slt.u32 s9, $0xF7A;
	s5 =	simm.s32 @!p2 $0x0  }
0x1d: {  	s5 =	simm.s32 @p1 $0x1;
	p0 =	seq.s32 s7, s2  }
0x1e: {  	s7 =	smul.u32 @!p0 $0xF7A, s2;
	p2 =	seq.s32 @!p0 s5, $0x0  }
0x1f: {  	s9 =	smul.u32 $0xF7A, s1;
	s8 =	simm.s32 @!p0 $0x1BF5;
	p2 =	por !p2, p0  }
0x20: {  	[sflag:s8] =	ssyncset.s32 @!p0 $0xFFFFF086;
	s6 =	sadd.s32 @!p0 s3, s7;
	s7 =	simm.s32 @!p0 $0x108  }
0x21: {  	s3 =	sadd.s32 s3, s9;
	s6 =	sadd.s32 @!p0 $0x88, s6;
	s7 =	simm.s32 @p2 $0x1082  }
0x22: {  	[simem:s7], [sflag:s8] =	dma.local @!p0 [hbm:s6], $0xF7A  }
0x23: {  	s9 =	sor.u32 $0xD0000000, s2;
	s6 =	simm.s32 $0x108;
	_ =	swait.ge @!p0 [sflag:s8], $0x0  }
0x24: {  	s3 =	sadd.s32 $0x88, s3;
	s6 =	simm.s32 @!p1 $0x1082;
	[sflag:s4] =	ssyncset.s32 $0xFFFFF086  }
0x25: {  	[simem:s6], [sflag:s4] =	dma.local [hbm:s3], $0xF7A  }
0x26: {  	[smem:$0x3F9C] =	sst s1;
	(tag) =	ssettag s2;
	_ =	strace s9  }
0x27: {  	s1 =	sld [smem:$0x3FAC]  }
0x28: {  	s2 =	sld [smem:$0x3FAD]  }
0x29: {  	s4 =	sld [smem:$0x3FAF]  }
0x2a: {  	p0 =	seq.s32 s5, $0x0;
	s5 =	sld [smem:$0x3FB0]  }
0x2b: {  	s6 =	sld [smem:$0x3FB1]  }
0x2c: {  	s7 =	sld [smem:$0x3FB2]  }
0x2d: {  	s3 =	simm.s32 $0x108;
	s8 =	sld [smem:$0x3FB3]  }
0x2e: {  	s3 =	simm.s32 @!p0 $0x1082;
	s9 =	sld [smem:$0x3FB4]  }
0x2f: {  	lr =	sadd.s32 s0, s3;
	s0 =	sld [smem:$0x3FAB]  }
0x30: {  	s3 =	sld [smem:$0x3FAE]  }
0x31: {  	[smem:$0x3FB7] =	sst s10  }
0x32: {  	s10 =	sld [smem:$0x3FB5];
	_ =	sdelay $0x3  }
0x33: {  	p0 =	seq.s32 s10, $0x1;
	s10 =	sld [smem:$0x3FB7];
	_ =	sdelay $0x3  }
0x34: {  	[smem:$0x3FB7] =	sst s10  }
0x35: {  	s10 =	sld [smem:$0x3FB6];
	_ =	sdelay $0x3  }
0x36: {  	p1 =	seq.s32 s10, $0x1;
	s10 =	sld [smem:$0x3FB7];
	_ =	sdelay $0x3  }
0x37: {  	[smem:$0x3FB7] =	sst s10  }
0x38: {  	s10 =	sld [smem:$0x3FB8]  }
0x39: {  	_ = 	snop;
	(pc) =	sbr.ind lr, $3  }
0x3a: {  	_ = 	snop  }
0x3b: {  	_ = 	snop  }
0x3c: {  	p2 =	seq.s32 s10, $0x1;
	s10 =	sld [smem:$0x3FB7]  }
0x3d: {  	_ =	shalt  }
0x3e: {  	_ =	shalt  }
0x3f: {  	_ =	shalt  }
0x40: {  	_ =	shalt  }
0x41: {  	_ =	shalt  }
0x42: {  	_ =	shalt  }
0x43: {  	_ =	shalt  }
0x44: {  	_ =	shalt  }
0x45: {  	_ =	shalt  }
0x46: {  	_ =	shalt  }
0x47: {  	_ =	shalt  }
0x48: {  	_ =	shalt  }
0x49: {  	_ =	shalt  }
0x4a: {  	_ =	shalt  }
0x4b: {  	_ =	shalt  }
0x4c: {  	_ =	shalt  }
0x4d: {  	_ =	shalt  }
0x4e: {  	_ =	shalt  }
0x4f: {  	_ =	shalt  }
0x50: {  	_ =	shalt  }
0x51: {  	_ =	shalt  }
0x52: {  	_ =	shalt  }
0x53: {  	_ =	shalt  }
0x54: {  	_ =	shalt  }
0x55: {  	_ =	shalt  }
0x56: {  	_ =	shalt  }
0x57: {  	_ =	shalt  }
0x58: {  	_ =	shalt  }
0x59: {  	_ =	shalt  }
0x5a: {  	_ =	shalt  }
0x5b: {  	_ =	shalt  }
0x5c: {  	_ =	shalt  }
0x5d: {  	_ =	shalt  }
0x5e: {  	_ =	shalt  }
0x5f: {  	_ =	shalt  }
0x60: {  	_ =	shalt  }
0x61: {  	_ =	shalt  }
0x62: {  	_ =	shalt  }
0x63: {  	_ =	shalt  }
0x64: {  	_ =	shalt  }
0x65: {  	_ =	shalt  }
0x66: {  	_ =	shalt  }
0x67: {  	_ =	shalt  }
0x68: {  	_ =	shalt  }
0x69: {  	_ =	shalt  }
0x6a: {  	_ =	shalt  }
0x6b: {  	_ =	shalt  }
0x6c: {  	_ =	shalt  }
0x6d: {  	_ =	shalt  }
0x6e: {  	_ =	shalt  }
0x6f: {  	_ =	shalt  }
0x70: {  	_ =	shalt  }
0x71: {  	_ =	shalt  }
0x72: {  	_ =	shalt  }
0x73: {  	_ =	shalt  }
0x74: {  	_ =	shalt  }
0x75: {  	_ =	shalt  }
0x76: {  	_ =	shalt  }
0x77: {  	_ =	shalt  }
0x78: {  	_ =	shalt  }
0x79: {  	_ =	shalt  }
0x7a: {  	_ =	shalt  }
0x7b: {  	_ =	shalt  }
0x7c: {  	_ =	shalt  }
0x7d: {  	_ =	shalt  }
0x7e: {  	_ =	shalt  }
0x7f: {  	_ =	shalt  }
0x80: {  	_ =	shalt  }
0x81: {  	_ =	shalt  }
0x82: {  	_ =	shalt  }
0x83: {  	_ =	shalt  }
0x84: {  	_ =	shalt  }
0x85: {  	_ =	shalt  }
0x86: {  	_ =	shalt  }
0x87: {  	_ =	shalt  }
.Lfunc_end0:
.L_simem_size_0:
called_computation_lowered:
.L_overlay_start_0:
0x88: {  	s0 =	sld [smem:$0x3FD9]  }
0x89: {  	s1 =	sld [smem:$0x3FFE];
	_ =	sdelay $0x3  }
0x8a: {  	s0 =	sadd.s32 s1, s0  }
0x8b: {  	[smem:$0x3FC3] =	sst s0  }
0x8c: {  	_ = 	snop  }
0x8d: {  	s0 =	sld [smem:$0x3FC9]  }
0x8e: {  	s17 =	sld [smem:$0x3FC8]  }
0x8f: {  	s2 =	sld [smem:$0x3FC7]  }
0x90: {  	s3 =	sld [smem:$0x3FC6]  }
0x91: {  	s4 =	sld [smem:$0x3FC5]  }
0x92: {  	s5 =	sld [smem:$0x3FD0];
	(tm) =	ssettm $0x1  }
0x93: {  	s6 =	sld [smem:$0x3FFB];
	_ =	sdelay $0x3  }
0x94: {  	_ =	strace s6  }
0x95: {  	s6 =	sld [smem:$0x3FFC];
	_ =	sdelay $0x3  }
0x96: {  	_ =	strace s6  }
0x97: {  	s6 =	sld [smem:$0x3FFD];
	_ =	sdelay $0x3  }
0x98: {  	_ =	strace s6  }
0x99: {  	_ =	strace $0x8FFFFFFF  }
0x9a: {  	s18 =	sld [smem:$0x3FDB];
	_ =	sdelay $0x1  }
0x9b: {  	s7 =	simm.s32 $_scs_section_size  }
0x9c: {  	s8 =	simm.s32 $_size__tile_overlayer_lowered;
	s9 =	simm.s32 $_tile_overlayer_lowered  }
0x9d: {  	s21 =	simm.s32 $0x1BFF;
	s20 =	sshll.u32 s9, $0x1;
	s6 =	sadd.s32 s7, s18  }
0x9e: {  	s10 =	simm.s32 $0x0;
	s19 =	sshll.u32 s8, $0x1;
	s8 =	sadd.s32 s20, s6  }
0x9f: {  	[timem:s10], [sflag:s21] =	dma.local [hbm:s8], s19  }
0xa0: {  	_ =	swait.ge [sflag:s21], s19  }
0xa1: {  	s7 =	ssub.s32 $0x0, s19;
	[sflag:s21] =	ssyncset.done $0x0  }
0xa2: {  	[sflag:s21] =	ssyncadd.s32 s7;
	_ =	sdelay $0x1  }
0xa3: {  	s22 =	simm.s32 $0x1B8B  }
0xa4: {  	_ =	swait.ge [sflag:s22], $0x1  }
0xa5: {  	[sflag:s22] =	ssyncset.done $0x0  }
0xa6: {  	s23 =	simm.s32 $0x1B8E;
	[sflag:s22] =	ssyncadd.s32 $0xFFFFFFFF  }
0xa7: {  	s24 =	simm.s32 $execute0_lowered;
	[smem:$0x3FD2] =	sst s23  }
0xa8: {  	s7 =	sshll.u32 s24, $0x1;
	_ =	strace $0x80000046;
	[dreg:$0x1] =	wrdreg $0xFFFFFFFF  }
0xa9: {  	s25 =	simm.s32 $_size_execute0_lowered;
	s6 =	sadd.s32 s6, s7;
	[dreg:$0x0] =	wrdreg $0x0  }
0xaa: {  	s7 =	sshll.u32 s25, $0x1;
	[dreg:$0x2] =	wrdreg s6  }
0xab: {  	[dreg:$0x3] =	wrdreg s7  }
0xac: {  	[dreg:$0x4] =	wrdreg $0xC0  }
0xad: {  	_ =	task [dreg:s10], $0x5FFFF  }
0xae: {  	[dreg:$0x1] =	wrdreg $0xFFFFFFFF  }
0xaf: {  	[dreg:$0x0] =	wrdreg $0x60  }
0xb0: {  	[dreg:$0x2] =	wrdreg s0  }
0xb1: {  	[dreg:$0x3] =	wrdreg s17  }
0xb2: {  	[dreg:$0x4] =	wrdreg s2  }
0xb3: {  	[dreg:$0x5] =	wrdreg s3  }
0xb4: {  	[dreg:$0x6] =	wrdreg s4  }
0xb5: {  	[dreg:$0x7] =	wrdreg s5  }
0xb6: {  	[dreg:$0x8] =	wrdreg $0x9  }
0xb7: {  	_ =	task.clear_ibuf [dreg:s10], $0x9FFFF;
	_ =	strace $0x90000046  }
0xb8: {  	s26 =	simm.s32 $0x9;
	_ =	strace $0x80000048  }
0xb9: {  	_ =	swait.ge [sflag:s26], $0x1  }
0xba: {  	[sflag:s26] =	ssyncadd.s32 $0xFFFFFFFF  }
0xbb: {  	_ =	strace $0x90000048  }
0xbc: {  	_ =	sfence  }
0xbd: {  	s28 =	sld [smem:$0x0];
	_ =	sdelay $0x1  }
0xbe: {  	s29 =	srdreg.scid  }
0xbf: {  	s30 =	sshll.u32 s29, $0xD;
	s31 =	sshrl.u32 s29, $0x2  }
0xc0: {  	s1 =	sand.u32 $0x1, s29;
	s2 =	sand.u32 $0x4000, s30;
	s0 =	sadd.s32 s31, s28  }
0xc1: {  	s1 =	sor.u32 s2, s1;
	s0 =	sshll.u32 s0, $0x11  }
0xc2: {  	s0 =	sor.u32 s0, s1  }
0xc3: {  	s0 =	sadd.s32 $0x8F2B, s0  }
0xc4: {  	[sflag:s0] =	ssyncadd.remote.s32 $0x1  }
0xc5: {  	_ =	sfence.sel $0xFFFF  }
0xc6: {  	[dreg:$0x0] =	wrdreg $0xFFFFFFFF;
	(pc) =	sbr.abs _section_cstart, $3  }
0xc7: {  	[dreg:$0x1] =	wrdreg $0xFFFFFFFF  }
0xc8: {  	_ =	task.clear_ibuf [dreg:s10], $0x2FFFF;
	_ =	strace $0x9FFFFFFF  }
0xc9: {  	(tm) =	ssettm $0x7FFFFFFF  }
tec
execute0_lowered:
.L_overlay_start_1:
0x0: {  	(tag) =	ssettag $0x1  }
0x1: {  	s3 =	rddreg [dreg:$0x0]  }
0x2: {  	s4 =	rddreg [dreg:$0x1]  }
0x3: {  	s7 =	rddreg [dreg:$0x2]  }
0x4: {  	s8 =	rddreg [dreg:$0x3]  }
0x5: {  	s6 =	rddreg [dreg:$0x4]  }
0x6: {  	s2 =	rddreg [dreg:$0x5]  }
0x7: {  	s0 =	rddreg [dreg:$0x6];
	s5 =	simm.s32 $0x0;
	s1 =	stileid.u32  }
0x8: {  	[smem:$0x7FF] =	sst s5;
	s9 =	sshll.u32 s1, $0x7  }
0x9: {  	s25 =	simm.s32 $0x1000;
	_ =	strace $0x80000047;
	s6 =	sadd.s32 s6, s9  }
0xa: {  	[tilespmem:s25], [sflag:$0x1] =	stream.linear.gather [hbm4b:s6+s5], $0x400, $0x38;
	[tilespmem:$0x2400] =	vst v63  }
0xb: {  	_ = 	snop  }
0xc: {  	[tilespmem:s5], [sflag:$0x1] =	stream.linear.gather [hbm4b:s3+s5], $0x400, $0x38;
	[tilespmem:$0x2400] =	vst v63  }
0xd: {  	s6 =	simm.s32 $0x400  }
0xe: {  	[tilespmem:s6], [sflag:$0x1] =	stream.linear.gather [hbm4b:s4+s5], $0x400, $0x38;
	[tilespmem:$0x2400] =	vst v63  }
0xf: {  	s4 =	simm.s32 $0x800  }
0x10: {  	[tilespmem:s4], [sflag:$0x1] =	stream.linear.gather [hbm4b:s7+s5], $0x400, $0x38;
	[tilespmem:$0x2400] =	vst v63  }
0x11: {  	s3 =	simm.s32 $0xC00;
	s7 =	simm.s32 $0x1  }
0x12: {  	[tilespmem:s3], [sflag:$0x1] =	stream.linear.gather [hbm4b:s8+s5], $0x400, $0x38;
	[tilespmem:$0x2400] =	vst v63  }
0x13: {  	_ =	swait.ge [sflag:s7], $0x400  }
0x14: {  	[sflag:s7] =	ssyncset.done $0x0  }
0x15: {  	[sflag:s7] =	ssyncadd.s32 $0xFFFFFC00  }
0x16: {  	_ =	swait.ge [sflag:s7], $0x400  }
0x17: {  	[sflag:s7] =	ssyncset.done $0x0  }
0x18: {  	[sflag:s7] =	ssyncadd.s32 $0xFFFFFC00  }
0x19: {  	_ =	swait.ge [sflag:s7], $0x400  }
0x1a: {  	[sflag:s7] =	ssyncset.done $0x0  }
0x1b: {  	[sflag:s7] =	ssyncadd.s32 $0xFFFFFC00  }
0x1c: {  	_ =	swait.ge [sflag:s7], $0x400  }
0x1d: {  	[sflag:s7] =	ssyncset.done $0x0  }
0x1e: {  	[sflag:s7] =	ssyncadd.s32 $0xFFFFFC00  }
0x1f: {  	s10 =	sand.u32 $0x40, s5;
	s26 =	sand.u32 $0x180, s5;
	_ =	swait.ge [sflag:s7], $0x400  }
0x20: {  	s28 =	sor.u32 $0x30, s10;
	s8 =	sor.u32 $0x1000, s26;
	[sflag:s7] =	ssyncset.done $0x0  }
0x21: {  	s12 =	sor.u32 $0x10, s10;
	s11 =	sor.u32 s28, s8;
	[sflag:s7] =	ssyncadd.s32 $0xFFFFFC00  }
0x22: {  	s29 =	sor.u32 $0x20, s10;
	s13 =	sor.u32 s12, s8;
	v1 =	vld [tilespmem:s11+$0x0]  }
0x23: {  	s8 =	sor.u32 s29, s8;
	v2 =	vld [tilespmem:s13+$0x0]  }
0x24: {  	v4 =	vld [tilespmem:s8+$0x0];
	_ =	sdelay $0x5  }
0x25: {  	s9 =	simm.s32 $0x40;
	v0 =	vld.idx.msk [tilespmem:v1+s5+$0x0], $0xffff  }
0x26: {  	s19 =	sand.u32 $0x180, s9;
	s8 =	sand.u32 $0x40, s9;
	v3 =	vld.idx.msk [tilespmem:v2+s5+$0x0], $0xffff  }
0x27: {  	s30 =	sand.u32 $0x600, s5;
	s11 =	sor.u32 $0x1000, s19;
	s17 =	sor.u32 $0x10, s8;
	v5 =	vld.idx.msk [tilespmem:v4+s5+$0x0], $0xffff  }
0x28: {  	s31 =	sadd.s32 $0x1400, s30;
	s19 =	sor.u32 s17, s11  }
0x29: {  	s18 =	simm.s32 $0x0;
	s14 =	sor.u32 s28, s31;
	v8 =	vld [tilespmem:s19+$0x0]  }
0x2a: {  	s12 =	sor.u32 s12, s31;
	[tilespmem:s14+$0x0] =	vst v0;
	v0 =	vld [tilespmem:s18+$0x1000]  }
0x2b: {  	s15 =	sor.u32 s29, s31;
	[tilespmem:s12+$0x0] =	vst v3;
	v6 =	vld.idx.msk [tilespmem:v1+s6+$0x0], $0xffff  }
0x2c: {  	s16 =	sor.u32 $0x30, s8;
	[tilespmem:s15+$0x0] =	vst v5;
	v3 =	vld.idx.msk [tilespmem:v2+s6+$0x0], $0xffff  }
0x2d: {  	s20 =	sor.u32 $0x20, s8;
	s18 =	sor.u32 s16, s11;
	v5 =	vld.idx.msk [tilespmem:v4+s6+$0x0], $0xffff  }
0x2e: {  	s11 =	sor.u32 s20, s11;
	v7 =	vld [tilespmem:s18+$0x0]  }
0x2f: {  	v10 =	vld [tilespmem:s11+$0x0];
	_ =	sdelay $0x1  }
0x30: {  	v12 =	vld.idx.msk [tilespmem:v8+s5+$0x0], $0xffff;
	[tilespmem:s14+$0x80] =	vst v6  }
0x31: {  	p0 =	por $0x0, $0x0;
	s14 =	simm.s32 $0x1;
	[tilespmem:s12+$0x80] =	vst v3;
	v6 =	vld.idx.msk [tilespmem:v1+s4+$0x0], $0xffff  }
0x32: {  	s19 =	simm.s32 $0x100;
	[tilespmem:s15+$0x80] =	vst v5;
	s14 =	simm.s32 @!p0 $0x0;
	v5 =	vld.idx.msk [tilespmem:v2+s4+$0x0], $0xffff  }
0x33: {  	s28 =	sand.u32 $0x600, s19;
	v9 =	vld.idx.msk [tilespmem:v4+s4+$0x0], $0xffff;
	s24 =	sshll.u32 s14, $0x6  }
0x34: {  	s12 =	sadd.s32 $0x1400, s28;
	v3 =	vld.idx.msk [tilespmem:v0+s5+$0x0], $0xffff;
	s11 =	sadd.s32 $0x0, s24  }
0x35: {  	s17 =	sor.u32 s17, s12;
	v11 =	vld.idx.msk [tilespmem:v7+s5+$0x0], $0xffff;
	s14 =	sadd.s32 $0x30, s11  }
0x36: {  	[tilespmem:s17+$0x0] =	vst v12;
	v13 =	vld.idx.msk [tilespmem:v10+s5+$0x0], $0xffff;
	s25 =	sor.u32 $0x100, s14  }
0x37: {  	s10 =	sor.u32 s10, s31;
	v12 =	vld.idx.msk [tilespmem:v8+s6+$0x0], $0xffff;
	[tilespmem:s25+$0x1400] =	vst v6  }
0x38: {  	s26 =	simm.s32 $0x40;
	s13 =	simm.s32 $0x80;
	s21 =	sadd.s32 $0x10, s11;
	v6 =	vld.idx.msk [tilespmem:v1+s3+$0x0], $0xffff  }
0x39: {  	s30 =	sand.u32 $0x180, s13;
	s15 =	sand.u32 $0x40, s13;
	s29 =	sor.u32 $0x100, s21;
	[tilespmem:s10+$0x0] =	vst v3;
	v1 =	vld [tilespmem:s26+$0x1000]  }
0x3a: {  	s23 =	sor.u32 $0x1000, s30;
	s22 =	sor.u32 s16, s12;
	s16 =	sor.u32 $0x30, s15;
	[tilespmem:s29+$0x1400] =	vst v5;
	v5 =	vld.idx.msk [tilespmem:v0+s6+$0x0], $0xffff  }
0x3b: {  	s24 =	sor.u32 s20, s12;
	s20 =	sor.u32 s16, s23;
	[tilespmem:s22+$0x0] =	vst v11;
	v11 =	vld.idx.msk [tilespmem:v2+s3+$0x0], $0xffff  }
0x3c: {  	s25 =	sadd.s32 $0x20, s11;
	v2 =	vld [tilespmem:s20+$0x0]  }
0x3d: {  	s31 =	sor.u32 $0x100, s25;
	[tilespmem:s24+$0x0] =	vst v13;
	v14 =	vld.idx.msk [tilespmem:v7+s6+$0x0], $0xffff  }
0x3e: {  	s18 =	sor.u32 $0x10, s15;
	[tilespmem:s31+$0x1400] =	vst v9;
	s20 =	sor.u32 $0x20, s15;
	v13 =	vld.idx.msk [tilespmem:v10+s6+$0x0], $0xffff  }
0x3f: {  	s26 =	sor.u32 s18, s23;
	v9 =	vld.idx.msk [tilespmem:v4+s3+$0x0], $0xffff;
	s23 =	sor.u32 s20, s23  }
0x40: {  	s14 =	sor.u32 $0x180, s14;
	[tilespmem:s17+$0x80] =	vst v12;
	v4 =	vld [tilespmem:s23+$0x0]  }
0x41: {  	[tilespmem:s14+$0x1400] =	vst v6  }
0x42: {  	v3 =	vld [tilespmem:s26+$0x0];
	[tilespmem:s22+$0x80] =	vst v14  }
0x43: {  	p0 =	por !p0, !p0;
	s22 =	simm.s32 $0x1;
	[tilespmem:s24+$0x80] =	vst v13;
	v13 =	vld.idx.msk [tilespmem:v8+s4+$0x0], $0xffff  }
0x44: {  	s28 =	sor.u32 $0x180, s21;
	[tilespmem:s10+$0x80] =	vst v5;
	v6 =	vld.idx.msk [tilespmem:v7+s4+$0x0], $0xffff;
	s22 =	simm.s32 @!p0 $0x0  }
0x45: {  	[tilespmem:s28+$0x1400] =	vst v11;
	v11 =	vld.idx.msk [tilespmem:v0+s4+$0x0], $0xffff;
	s17 =	sshll.u32 s22, $0x6  }
0x46: {  	v12 =	vld.idx.msk [tilespmem:v1+s5+$0x0], $0xffff;
	s22 =	sadd.s32 $0x100, s17  }
0x47: {  	s30 =	sor.u32 $0x180, s25;
	v5 =	vld.idx.msk [tilespmem:v10+s4+$0x0], $0xffff;
	s21 =	sadd.s32 $0x30, s22  }
0x48: {  	s19 =	sor.u32 s19, s9;
	[tilespmem:s30+$0x1400] =	vst v9;
	s31 =	sadd.s32 $0x10, s22;
	v9 =	vld.idx.msk [tilespmem:v4+s5+$0x0], $0xffff;
	s29 =	sor.u32 $0x100, s21  }
0x49: {  	s12 =	sor.u32 s8, s12;
	s8 =	sor.u32 $0x180, s19;
	s24 =	sor.u32 $0x100, s31;
	[tilespmem:s29+$0x1400] =	vst v6;
	v6 =	vld.idx.msk [tilespmem:v2+s5+$0x0], $0xffff  }
0x4a: {  	s11 =	sor.u32 $0x100, s11;
	s25 =	simm.s32 $0x80;
	s10 =	simm.s32 $0x200;
	[tilespmem:s24+$0x1400] =	vst v13;
	v13 =	vld.idx.msk [tilespmem:v3+s5+$0x0], $0xffff  }
0x4b: {  	s26 =	sor.u32 s5, s5;
	s23 =	sadd.s32 $0x20, s22;
	[tilespmem:s11+$0x1400] =	vst v11;
	s29 =	sand.u32 $0x600, s10;
	v14 =	vld.idx.msk [tilespmem:v7+s3+$0x0], $0xffff  }
0x4c: {  	s9 =	sor.u32 $0x180, s26;
	s28 =	sor.u32 $0x100, s23;
	[tilespmem:s12+$0x0] =	vst v12;
	v7 =	vld [tilespmem:s25+$0x1000];
	s30 =	sadd.s32 $0x1400, s29  }
0x4d: {  	s14 =	simm.s32 $0x8;
	s13 =	sor.u32 s10, s13;
	[tilespmem:s28+$0x1400] =	vst v5;
	v11 =	vld.idx.msk [tilespmem:v1+s6+$0x0], $0xffff;
	s24 =	sor.u32 s16, s30  }
0x4e: {  	s13 =	sor.u32 $0x180, s13;
	s11 =	sor.u32 $0x100, s22;
	v8 =	vld.idx.msk [tilespmem:v8+s3+$0x0], $0xffff;
	s19 =	sor.u32 s18, s30;
	[tilespmem:s24+$0x0] =	vst v6  }
0x4f: {  	s17 =	sor.u32 $0x180, s31;
	s31 =	sor.u32 $0x180, s21;
	v10 =	vld.idx.msk [tilespmem:v10+s3+$0x0], $0xffff;
	s16 =	sor.u32 $0x180, s23;
	[tilespmem:s19+$0x0] =	vst v13  }
0x50: {  	v5 =	vmov v4;
	s23 =	sor.u32 s15, s30;
	s20 =	sor.u32 s20, s30;
	s15 =	simm.s32 $0xC0;
	v6 =	vmov v3;
	[tilespmem:s31+$0x1400] =	vst v14;
	v12 =	vld.idx.msk [tilespmem:v2+s6+$0x0], $0xffff  }
.LBB2_1:
0x51: {  	s18 =	sand.u32 $0x40, s15;
	s21 =	sand.u32 $0x180, s15;
	s14 =	sadd.s32 $0x4, s14;
	v13 =	vld.idx.msk [tilespmem:v3+s6+$0x0], $0xffff;
	[tilespmem:s20+$0x0] =	vst v9  }
0x52: {  	s26 =	sor.u32 $0x1000, s21;
	s21 =	sor.u32 $0x30, s18;
	p1 =	slt.u32 s14, $0x1C;
	v9 =	vld.idx.msk [tilespmem:v4+s6+$0x0], $0xffff  }
0x53: {  	s25 =	sor.u32 $0x10, s18;
	s22 =	sor.u32 $0x20, s18;
	s28 =	sor.u32 s21, s26;
	[tilespmem:s12+$0x80] =	vst v11;
	v11 =	vld.idx.msk [tilespmem:v0+s3+$0x0], $0xffff;
	v0 =	vmov v1;
	v1 =	vmov v7  }
0x54: {  	s29 =	sor.u32 s25, s26;
	s26 =	sor.u32 s22, s26;
	s12 =	smov.u32 s23;
	v7 =	vld [tilespmem:s28+$0x0];
	[tilespmem:s17+$0x1400] =	vst v8  }
0x55: {  	v3 =	vld [tilespmem:s29+$0x0];
	[tilespmem:s24+$0x80] =	vst v12  }
0x56: {  	p0 =	por !p0, !p0;
	v8 =	vld.idx.msk [tilespmem:v2+s4+$0x0], $0xffff;
	[tilespmem:s16+$0x1400] =	vst v10;
	s16 =	simm.s32 $0x1  }
0x57: {  	v4 =	vld [tilespmem:s26+$0x0];
	s16 =	simm.s32 @!p0 $0x0;
	[tilespmem:s19+$0x80] =	vst v13  }
0x58: {  	s16 =	sshll.u32 s16, $0x6;
	v10 =	vld.idx.msk [tilespmem:v1+s5+$0x0], $0xffff;
	[tilespmem:s20+$0x80] =	vst v9  }
0x59: {  	s16 =	sadd.s32 s16, s10;
	v12 =	vld.idx.msk [tilespmem:v6+s4+$0x0], $0xffff;
	[tilespmem:s9+$0x1400] =	vst v11;
	s9 =	smov.u32 s8;
	s8 =	smov.u32 s13  }
0x5a: {  	s13 =	sadd.s32 $0x10, s16;
	v11 =	vld.idx.msk [tilespmem:v5+s4+$0x0], $0xffff;
	s19 =	sadd.s32 $0x20, s16;
	s26 =	sadd.s32 $0x30, s16  }
0x5b: {  	s20 =	sor.u32 $0x100, s13;
	s23 =	sor.u32 $0x100, s19;
	s24 =	sor.u32 $0x100, s26;
	v13 =	vld.idx.msk [tilespmem:v0+s4+$0x0], $0xffff  }
0x5c: {  	s28 =	sor.u32 $0x100, s16;
	s17 =	sor.u32 $0x180, s13;
	s16 =	sor.u32 $0x180, s19;
	v14 =	vld.idx.msk [tilespmem:v7+s5+$0x0], $0xffff;
	[tilespmem:s24+$0x1400] =	vst v8  }
0x5d: {  	v15 =	vld.idx.msk [tilespmem:v2+s3+$0x0], $0xffff;
	v2 =	vmov v7  }
0x5e: {  	s10 =	sadd.s32 $0x100, s10;
	v16 =	vld.idx.msk [tilespmem:v3+s5+$0x0], $0xffff;
	[tilespmem:s12+$0x0] =	vst v10  }
0x5f: {  	s13 =	sshra.s32 s10, $0x2;
	s19 =	sand.u32 $0x600, s10;
	s24 =	sor.u32 s10, s15;
	v9 =	vld.idx.msk [tilespmem:v4+s5+$0x0], $0xffff;
	[tilespmem:s20+$0x1400] =	vst v12  }
.Ltmp0:
0x60: {  	s20 =	sadd.s32 $0x1400, s19;
	v7 =	vld [tilespmem:s13+$0x1000];
	s13 =	sor.u32 $0x180, s24;
	[tilespmem:s23+$0x1400] =	vst v11;
	(pc) =	sbr.rel @p1 .LBB2_1-.Ltmp0, $4  }
0x61: {  	s23 =	sor.u32 s18, s20;
	s19 =	sor.u32 s25, s20;
	s24 =	sor.u32 s21, s20;
	v11 =	vld.idx.msk [tilespmem:v1+s6+$0x0], $0xffff;
	[tilespmem:s11+$0x1400] =	vst v13  }
0x62: {  	s20 =	sor.u32 s22, s20;
	s18 =	sor.u32 $0x180, s26;
	s11 =	smov.u32 s28;
	[tilespmem:s24+$0x0] =	vst v14;
	v8 =	vld.idx.msk [tilespmem:v6+s3+$0x0], $0xffff;
	v6 =	vmov v3  }
0x63: {  	v12 =	vld.idx.msk [tilespmem:v2+s6+$0x0], $0xffff;
	[tilespmem:s18+$0x1400] =	vst v15  }
0x64: {  	s15 =	sadd.s32 $0x40, s15;
	[tilespmem:s19+$0x0] =	vst v16;
	v10 =	vld.idx.msk [tilespmem:v5+s3+$0x0], $0xffff;
	v5 =	vmov v4  }
0x65: {  	_ =	sdelay $0x3  }
0x66: {  	v13 =	vld.idx.msk [tilespmem:v7+s5+$0x0], $0xffff;
	_ =	sdelay $0x3  }
0x67: {  	v3 =	vld.idx.msk [tilespmem:v3+s6+$0x0], $0xffff;
	[tilespmem:s20+$0x0] =	vst v9  }
0x68: {  	v4 =	vld.idx.msk [tilespmem:v4+s6+$0x0], $0xffff;
	[tilespmem:s23+$0x0] =	vst v13  }
0x69: {  	[tilespmem:s12+$0x80] =	vst v11;
	v9 =	vld.idx.msk [tilespmem:v7+s6+$0x0], $0xffff  }
0x6a: {  	[tilespmem:s17+$0x1400] =	vst v8  }
0x6b: {  	p0 =	por !p0, !p0;
	v8 =	vld.idx.msk [tilespmem:v1+s4+$0x0], $0xffff;
	[tilespmem:s24+$0x80] =	vst v12  }
0x6c: {  	s7 =	simm.s32 @!p0 $0x0;
	v11 =	vld.idx.msk [tilespmem:v2+s4+$0x0], $0xffff;
	[tilespmem:s19+$0x80] =	vst v3  }
0x6d: {  	s24 =	sshll.u32 s7, $0x6;
	[tilespmem:s20+$0x80] =	vst v4;
	v3 =	vld.idx.msk [tilespmem:v6+s4+$0x0], $0xffff  }
0x6e: {  	s5 =	sadd.s32 s24, s10;
	v4 =	vld.idx.msk [tilespmem:v5+s4+$0x0], $0xffff;
	[tilespmem:s23+$0x80] =	vst v9  }
0x6f: {  	[tilespmem:s16+$0x1400] =	vst v10;
	s25 =	sadd.s32 $0x30, s5;
	v9 =	vld.idx.msk [tilespmem:v7+s4+$0x0], $0xffff  }
0x70: {  	v0 =	vld.idx.msk [tilespmem:v0+s3+$0x0], $0xffff;
	s26 =	sadd.s32 $0x10, s5;
	s28 =	sor.u32 $0x100, s25;
	[tilespmem:s11+$0x1400] =	vst v8  }
0x71: {  	s29 =	sadd.s32 $0x20, s5;
	s30 =	sor.u32 $0x100, s26;
	v1 =	vld.idx.msk [tilespmem:v1+s3+$0x0], $0xffff;
	[tilespmem:s28+$0x1400] =	vst v11  }
0x72: {  	s31 =	sor.u32 $0x100, s29;
	v2 =	vld.idx.msk [tilespmem:v2+s3+$0x0], $0xffff;
	[tilespmem:s30+$0x1400] =	vst v3  }
0x73: {  	s5 =	sor.u32 $0x100, s5;
	[tilespmem:s31+$0x1400] =	vst v4;
	v3 =	vld.idx.msk [tilespmem:v6+s3+$0x0], $0xffff  }
0x74: {  	v4 =	vld.idx.msk [tilespmem:v5+s3+$0x0], $0xffff;
	[tilespmem:s5+$0x1400] =	vst v9  }
0x75: {  	[tilespmem:s9+$0x1400] =	vst v0;
	v0 =	vld.idx.msk [tilespmem:v7+s3+$0x0], $0xffff  }
0x76: {  	s10 =	simm.s32 $0x200;
	s6 =	sor.u32 $0x180, s25;
	[tilespmem:s8+$0x1400] =	vst v1  }
0x77: {  	s7 =	sor.u32 $0x180, s26;
	s11 =	sand.u32 $0x40, s10;
	[tilespmem:s6+$0x1400] =	vst v2  }
0x78: {  	s9 =	simm.s32 $0x1400;
	s24 =	sor.u32 $0x30, s11;
	s4 =	sor.u32 $0x180, s29;
	[tilespmem:s7+$0x1400] =	vst v3  }
0x79: {  	s23 =	simm.s32 $0x1;
	[tilespmem:s4+$0x1400] =	vst v4;
	s3 =	sshll.u32 s1, $0x9;
	s4 =	sand.u32 $0x380, s10  }
0x7a: {  	s5 =	simm.s32 $0x0;
	s8 =	sadd.s32 s2, s3;
	s4 =	sor.u32 $0x1000, s4;
	[tilespmem:s13+$0x1400] =	vst v0  }
0x7b: {  	[hbm4b:s8+s5] =	stream.linear.scatter [tilespmem:s9], [sflag:$0x1], $0x800, $0x38;
	[tilespmem:$0x2400] =	vst v63  }
0x7c: {  	s26 =	sor.u32 $0x10, s11;
	s25 =	sor.u32 s24, s4;
	[dreg:$0x7] =	wrdreg s23  }
0x7d: {  	s28 =	sor.u32 $0x20, s11;
	s29 =	sor.u32 s26, s4;
	v1 =	vld [tilespmem:s25+$0x0]  }
0x7e: {  	s4 =	sor.u32 s28, s4;
	v2 =	vld [tilespmem:s29+$0x0]  }
0x7f: {  	v3 =	vld [tilespmem:s4+$0x0]  }
0x80: {  	s14 =	simm.s32 $0x240;
	s4 =	simm.s32 $0x800  }
0x81: {  	s21 =	sand.u32 $0x380, s14;
	s8 =	sand.u32 $0x40, s14;
	s30 =	sand.u32 $0xE00, s4  }
0x82: {  	s9 =	sor.u32 $0x1000, s21;
	s15 =	sor.u32 $0x10, s8;
	s31 =	sadd.s32 $0x1400, s30  }
0x83: {  	s7 =	sor.u32 s24, s31;
	s24 =	sor.u32 s15, s9  }
0x84: {  	v8 =	vld [tilespmem:s24+$0x0]  }
0x85: {  	v0 =	vld.idx.msk [tilespmem:v1+s5+$0x0], $0xffff  }
0x86: {  	s22 =	sor.u32 $0x30, s8;
	v4 =	vld.idx.msk [tilespmem:v2+s5+$0x0], $0xffff  }
0x87: {  	s23 =	sor.u32 s22, s9;
	v5 =	vld.idx.msk [tilespmem:v3+s5+$0x0], $0xffff  }
0x88: {  	v7 =	vld [tilespmem:s23+$0x0]  }
0x89: {  	s18 =	simm.s32 $0x200  }
0x8a: {  	s6 =	simm.s32 $0x400;
	s19 =	sor.u32 s26, s31;
	[tilespmem:s7+$0x0] =	vst v0;
	v0 =	vld [tilespmem:s18+$0x1000]  }
0x8b: {  	s20 =	sor.u32 s28, s31;
	[tilespmem:s19+$0x0] =	vst v4;
	v6 =	vld.idx.msk [tilespmem:v1+s6+$0x0], $0xffff  }
0x8c: {  	[tilespmem:s20+$0x0] =	vst v5;
	s18 =	sor.u32 $0x20, s8;
	v4 =	vld.idx.msk [tilespmem:v2+s6+$0x0], $0xffff  }
0x8d: {  	v5 =	vld.idx.msk [tilespmem:v3+s6+$0x0], $0xffff;
	s25 =	sor.u32 s18, s9  }
0x8e: {  	v10 =	vld [tilespmem:s25+$0x0]  }
0x8f: {  	v12 =	vld.idx.msk [tilespmem:v8+s5+$0x0], $0xffff  }
0x90: {  	p0 =	por $0x0, $0x0;
	s29 =	simm.s32 $0x900;
	v11 =	vld.idx.msk [tilespmem:v7+s5+$0x0], $0xffff;
	s16 =	rddreg [dreg:$0x7];
	[tilespmem:s7+$0x80] =	vst v6  }
0x91: {  	s10 =	sor.u32 s11, s31;
	s11 =	sand.u32 $0xE00, s29;
	s16 =	simm.s32 @!p0 $0x0;
	[tilespmem:s19+$0x80] =	vst v4;
	v6 =	vld.idx.msk [tilespmem:v1+s4+$0x0], $0xffff  }
0x92: {  	s11 =	sadd.s32 $0x1400, s11;
	s26 =	sshll.u32 s16, $0x6;
	[tilespmem:s20+$0x80] =	vst v5;
	v5 =	vld.idx.msk [tilespmem:v2+s4+$0x0], $0xffff  }
0x93: {  	s9 =	sadd.s32 $0x0, s26;
	s20 =	sor.u32 s15, s11;
	v9 =	vld.idx.msk [tilespmem:v3+s4+$0x0], $0xffff  }
0x94: {  	s12 =	sadd.s32 $0x830, s9;
	[tilespmem:s20+$0x0] =	vst v12;
	v4 =	vld.idx.msk [tilespmem:v0+s5+$0x0], $0xffff  }
0x95: {  	s28 =	sor.u32 $0x100, s12;
	v12 =	vld.idx.msk [tilespmem:v8+s6+$0x0], $0xffff  }
0x96: {  	s14 =	sor.u32 s22, s11;
	s13 =	sadd.s32 $0x810, s9;
	s7 =	simm.s32 $0xC00;
	v13 =	vld.idx.msk [tilespmem:v10+s5+$0x0], $0xffff;
	[tilespmem:s28+$0x1400] =	vst v6  }
0x97: {  	s30 =	simm.s32 $0x240;
	[tilespmem:s14+$0x0] =	vst v11;
	s16 =	sadd.s32 $0x820, s9;
	s31 =	sor.u32 $0x100, s13;
	v6 =	vld.idx.msk [tilespmem:v1+s7+$0x0], $0xffff  }
0x98: {  	s19 =	sor.u32 $0x100, s16;
	[tilespmem:s31+$0x1400] =	vst v5;
	v1 =	vld [tilespmem:s30+$0x1000]  }
0x99: {  	s24 =	simm.s32 $0x280;
	[tilespmem:s19+$0x1400] =	vst v9;
	v11 =	vld.idx.msk [tilespmem:v2+s7+$0x0], $0xffff  }
0x9a: {  	s26 =	sand.u32 $0x380, s24;
	s15 =	sand.u32 $0x40, s24;
	[tilespmem:s10+$0x0] =	vst v4;
	v4 =	vld.idx.msk [tilespmem:v7+s6+$0x0], $0xffff  }
0x9b: {  	s22 =	sor.u32 $0x30, s15;
	s19 =	sor.u32 $0x1000, s26;
	v9 =	vld.idx.msk [tilespmem:v3+s7+$0x0], $0xffff  }
0x9c: {  	s25 =	sor.u32 s18, s11;
	s18 =	sor.u32 $0x10, s15;
	s21 =	sor.u32 s22, s19;
	v5 =	vld.idx.msk [tilespmem:v0+s6+$0x0], $0xffff  }
0x9d: {  	s28 =	sor.u32 s18, s19;
	v2 =	vld [tilespmem:s21+$0x0]  }
0x9e: {  	v3 =	vld [tilespmem:s28+$0x0];
	[tilespmem:s25+$0x0] =	vst v13  }
0x9f: {  	s21 =	sor.u32 $0x20, s15;
	v13 =	vld.idx.msk [tilespmem:v10+s6+$0x0], $0xffff;
	s24 =	rddreg [dreg:$0x7];
	[tilespmem:s20+$0x80] =	vst v12  }
0xa0: {  	p0 =	por !p0, !p0;
	s29 =	sor.u32 s21, s19;
	v12 =	vld.idx.msk [tilespmem:v8+s4+$0x0], $0xffff  }
0xa1: {  	s12 =	sor.u32 $0x180, s12;
	s24 =	simm.s32 @!p0 $0x0;
	[tilespmem:s14+$0x80] =	vst v4;
	v4 =	vld [tilespmem:s29+$0x0]  }
0xa2: {  	[tilespmem:s12+$0x1400] =	vst v6;
	s30 =	sshll.u32 s24, $0x6;
	v14 =	vld.idx.msk [tilespmem:v7+s4+$0x0], $0xffff  }
0xa3: {  	s31 =	sadd.s32 $0x100, s30;
	[tilespmem:s10+$0x80] =	vst v5;
	v6 =	vld.idx.msk [tilespmem:v1+s5+$0x0], $0xffff  }
0xa4: {  	s20 =	sor.u32 $0x180, s13;
	s24 =	sor.u32 $0x180, s16;
	s16 =	sadd.s32 $0x810, s31;
	[tilespmem:s25+$0x80] =	vst v13;
	v13 =	vld.idx.msk [tilespmem:v0+s4+$0x0], $0xffff  }
0xa5: {  	[tilespmem:s20+$0x1400] =	vst v11;
	s25 =	sor.u32 $0x100, s16;
	v5 =	vld.idx.msk [tilespmem:v10+s4+$0x0], $0xffff  }
0xa6: {  	s19 =	sadd.s32 $0x830, s31;
	v16 =	vld.idx.msk [tilespmem:v3+s5+$0x0], $0xffff;
	[tilespmem:s25+$0x1400] =	vst v12  }
0xa7: {  	s9 =	sadd.s32 $0x800, s9;
	s13 =	simm.s32 $0xA00;
	[tilespmem:s24+$0x1400] =	vst v9;
	s23 =	sor.u32 $0x100, s19;
	v8 =	vld.idx.msk [tilespmem:v8+s7+$0x0], $0xffff  }
0xa8: {  	s28 =	simm.s32 $0x280;
	s12 =	sor.u32 s8, s11;
	s29 =	sand.u32 $0xE00, s13;
	[tilespmem:s23+$0x1400] =	vst v14;
	v14 =	vld.idx.msk [tilespmem:v2+s5+$0x0], $0xffff  }
0xa9: {  	s8 =	sor.u32 $0x180, s9;
	s10 =	sor.u32 $0x100, s9;
	s20 =	sadd.s32 $0x820, s31;
	v15 =	vld.idx.msk [tilespmem:v7+s7+$0x0], $0xffff;
	[tilespmem:s12+$0x0] =	vst v6  }
0xaa: {  	s14 =	simm.s32 $0x28;
	s30 =	sadd.s32 $0x1400, s29;
	s26 =	sor.u32 $0x100, s20;
	v9 =	vld.idx.msk [tilespmem:v4+s5+$0x0], $0xffff;
	[tilespmem:s10+$0x1400] =	vst v13  }
0xab: {  	s17 =	sor.u32 $0x180, s16;
	s16 =	sor.u32 $0x180, s20;
	s20 =	sor.u32 s18, s30;
	[tilespmem:s26+$0x1400] =	vst v5;
	v11 =	vld.idx.msk [tilespmem:v1+s6+$0x0], $0xffff  }
0xac: {  	s11 =	simm.s32 $0x100;
	s31 =	sadd.s32 $0x800, s31;
	s22 =	sor.u32 s22, s30;
	v7 =	vld [tilespmem:s28+$0x1000];
	[tilespmem:s20+$0x0] =	vst v16  }
0xad: {  	s21 =	sor.u32 s21, s30;
	s9 =	sor.u32 $0x180, s31;
	s19 =	sor.u32 $0x180, s19;
	v10 =	vld.idx.msk [tilespmem:v10+s7+$0x0], $0xffff;
	[tilespmem:s22+$0x0] =	vst v14  }
0xae: {  	s10 =	sor.u32 $0x100, s31;
	v6 =	vmov v3;
	v5 =	vmov v4;
	v12 =	vld.idx.msk [tilespmem:v2+s6+$0x0], $0xffff;
	[tilespmem:s19+$0x1400] =	vst v15;
	s19 =	sor.u32 s15, s30;
	s15 =	simm.s32 $0x2C0  }
.LBB2_3:
0xaf: {  	s18 =	sand.u32 $0x40, s15;
	s23 =	sand.u32 $0x380, s15;
	v13 =	vld.idx.msk [tilespmem:v3+s6+$0x0], $0xffff;
	[tilespmem:s21+$0x0] =	vst v9  }
0xb0: {  	s26 =	sor.u32 $0x1000, s23;
	s23 =	sor.u32 $0x30, s18;
	v9 =	vld.idx.msk [tilespmem:v4+s6+$0x0], $0xffff;
	[tilespmem:s12+$0x80] =	vst v11  }
0xb1: {  	s25 =	sor.u32 $0x10, s18;
	s28 =	sor.u32 s23, s26;
	v11 =	vld.idx.msk [tilespmem:v0+s7+$0x0], $0xffff  }
0xb2: {  	s24 =	sor.u32 $0x20, s18;
	s31 =	sor.u32 s25, s26;
	[tilespmem:s17+$0x1400] =	vst v8;
	v0 =	vmov v1;
	v1 =	vmov v7;
	v7 =	vld [tilespmem:s28+$0x0]  }
0xb3: {  	s26 =	sor.u32 s24, s26;
	[tilespmem:s16+$0x1400] =	vst v10;
	v3 =	vld [tilespmem:s31+$0x0]  }
0xb4: {  	[tilespmem:s22+$0x80] =	vst v12;
	v4 =	vld [tilespmem:s26+$0x0]  }
0xb5: {  	p0 =	por !p0, !p0;
	s28 =	rddreg [dreg:$0x7];
	[tilespmem:s20+$0x80] =	vst v13;
	v8 =	vld.idx.msk [tilespmem:v2+s4+$0x0], $0xffff  }
0xb6: {  	s28 =	simm.s32 @!p0 $0x0;
	v12 =	vld.idx.msk [tilespmem:v6+s4+$0x0], $0xffff  }
0xb7: {  	s11 =	sadd.s32 $0x100, s11;
	s17 =	sshll.u32 s28, $0x6;
	[tilespmem:s21+$0x80] =	vst v9;
	v10 =	vld.idx.msk [tilespmem:v1+s5+$0x0], $0xffff  }
0xb8: {  	s16 =	sadd.s32 s17, s11;
	[tilespmem:s8+$0x1400] =	vst v11;
	v11 =	vld.idx.msk [tilespmem:v5+s4+$0x0], $0xffff  }
0xb9: {  	s26 =	sadd.s32 $0x830, s16;
	v13 =	vld.idx.msk [tilespmem:v0+s4+$0x0], $0xffff  }
0xba: {  	s14 =	sadd.s32 $0x4, s14;
	s20 =	sadd.s32 $0x810, s16;
	s21 =	sor.u32 $0x100, s26;
	v14 =	vld.idx.msk [tilespmem:v7+s5+$0x0], $0xffff  }
0xbb: {  	s13 =	sadd.s32 $0x100, s13;
	p1 =	slt.u32 s14, $0x3C;
	s22 =	sor.u32 $0x100, s20;
	[tilespmem:s21+$0x1400] =	vst v8;
	v16 =	vld.idx.msk [tilespmem:v3+s5+$0x0], $0xffff  }
0xbc: {  	s12 =	smov.u32 s19;
	s19 =	sadd.s32 $0x800, s16;
	s16 =	sadd.s32 $0x820, s16;
	v9 =	vld.idx.msk [tilespmem:v4+s5+$0x0], $0xffff;
	[tilespmem:s22+$0x1400] =	vst v12  }
0xbd: {  	s29 =	sshra.s32 s13, $0x2;
	s30 =	sand.u32 $0xE00, s13;
	s31 =	sor.u32 $0x100, s16;
	v15 =	vld.idx.msk [tilespmem:v2+s7+$0x0], $0xffff;
	v2 =	vmov v7;
	[tilespmem:s12+$0x0] =	vst v10  }
.Ltmp1:
0xbe: {  	[tilespmem:s31+$0x1400] =	vst v11;
	v7 =	vld [tilespmem:s29+$0x1000];
	s29 =	sadd.s32 $0x1400, s30;
	(pc) =	sbr.rel @p1 .LBB2_3-.Ltmp1, $4  }
0xbf: {  	s15 =	sadd.s32 $0x40, s15;
	s8 =	smov.u32 s9;
	v11 =	vld.idx.msk [tilespmem:v1+s6+$0x0], $0xffff;
	[tilespmem:s10+$0x1400] =	vst v13;
	s22 =	sor.u32 s23, s29  }
0xc0: {  	s28 =	sor.u32 $0x100, s19;
	s17 =	sor.u32 $0x180, s20;
	v8 =	vld.idx.msk [tilespmem:v6+s7+$0x0], $0xffff;
	s20 =	sor.u32 s25, s29;
	[tilespmem:s22+$0x0] =	vst v14  }
0xc1: {  	s9 =	sor.u32 $0x180, s19;
	s16 =	sor.u32 $0x180, s16;
	s31 =	sor.u32 $0x180, s26;
	v10 =	vld.idx.msk [tilespmem:v5+s7+$0x0], $0xffff;
	[tilespmem:s20+$0x0] =	vst v16  }
0xc2: {  	v6 =	vmov v3;
	s10 =	smov.u32 s28;
	v5 =	vmov v4;
	s19 =	sor.u32 s18, s29;
	s21 =	sor.u32 s24, s29;
	v12 =	vld.idx.msk [tilespmem:v2+s6+$0x0], $0xffff;
	[tilespmem:s31+$0x1400] =	vst v15  }
0xc3: {  	_ =	sdelay $0x3  }
0xc4: {  	v13 =	vld.idx.msk [tilespmem:v7+s5+$0x0], $0xffff;
	_ =	sdelay $0x3  }
0xc5: {  	[tilespmem:s21+$0x0] =	vst v9;
	v3 =	vld.idx.msk [tilespmem:v3+s6+$0x0], $0xffff  }
0xc6: {  	v4 =	vld.idx.msk [tilespmem:v4+s6+$0x0], $0xffff;
	s5 =	rddreg [dreg:$0x7];
	[tilespmem:s19+$0x0] =	vst v13  }
0xc7: {  	[tilespmem:s12+$0x80] =	vst v11;
	v58 =	vld.idx.msk [tilespmem:v7+s6+$0x0], $0xffff  }
0xc8: {  	[tilespmem:s17+$0x1400] =	vst v8  }
0xc9: {  	p0 =	por !p0, !p0;
	v60 =	vld.idx.msk [tilespmem:v1+s4+$0x0], $0xffff;
	[tilespmem:s22+$0x80] =	vst v12  }
0xca: {  	s5 =	simm.s32 @!p0 $0x0;
	v59 =	vld.idx.msk [tilespmem:v2+s4+$0x0], $0xffff;
	[tilespmem:s20+$0x80] =	vst v3  }
0xcb: {  	s5 =	sshll.u32 s5, $0x6;
	s20 =	sadd.s32 $0x100, s11;
	[tilespmem:s21+$0x80] =	vst v4;
	v3 =	vld.idx.msk [tilespmem:v6+s4+$0x0], $0xffff  }
0xcc: {  	s5 =	sadd.s32 s5, s20;
	v4 =	vld.idx.msk [tilespmem:v5+s4+$0x0], $0xffff;
	[tilespmem:s19+$0x80] =	vst v58  }
0xcd: {  	[tilespmem:s16+$0x1400] =	vst v10;
	s6 =	sadd.s32 $0x830, s5;
	v9 =	vld.idx.msk [tilespmem:v7+s4+$0x0], $0xffff  }
0xce: {  	v0 =	vld.idx.msk [tilespmem:v0+s7+$0x0], $0xffff;
	s21 =	sadd.s32 $0x810, s5;
	[tilespmem:s10+$0x1400] =	vst v60;
	s22 =	sor.u32 $0x100, s6  }
0xcf: {  	s23 =	sadd.s32 $0x820, s5;
	s13 =	sor.u32 $0x100, s21;
	v62 =	vld.idx.msk [tilespmem:v1+s7+$0x0], $0xffff;
	[tilespmem:s22+$0x1400] =	vst v59  }
0xd0: {  	s5 =	sadd.s32 $0x800, s5;
	s24 =	sor.u32 $0x100, s23;
	v61 =	vld.idx.msk [tilespmem:v2+s7+$0x0], $0xffff;
	[tilespmem:s13+$0x1400] =	vst v3  }
0xd1: {  	s25 =	sor.u32 $0x100, s5;
	[tilespmem:s24+$0x1400] =	vst v4;
	v3 =	vld.idx.msk [tilespmem:v6+s7+$0x0], $0xffff  }
0xd2: {  	v4 =	vld.idx.msk [tilespmem:v5+s7+$0x0], $0xffff;
	[tilespmem:s25+$0x1400] =	vst v9  }
0xd3: {  	[tilespmem:s8+$0x1400] =	vst v0;
	v63 =	vld.idx.msk [tilespmem:v7+s7+$0x0], $0xffff  }
0xd4: {  	s6 =	sor.u32 $0x180, s6;
	[tilespmem:s9+$0x1400] =	vst v62  }
0xd5: {  	s26 =	sor.u32 $0x180, s21;
	[tilespmem:s6+$0x1400] =	vst v61  }
0xd6: {  	s4 =	sor.u32 $0x180, s23;
	[tilespmem:s26+$0x1400] =	vst v3  }
0xd7: {  	s2 =	sadd.s32 s3, s2;
	s29 =	simm.s32 $0x0;
	s28 =	sor.u32 $0x180, s5;
	[tilespmem:s4+$0x1400] =	vst v4  }
0xd8: {  	s30 =	simm.s32 $0x1C00;
	s31 =	simm.s32 $0x1;
	s2 =	sadd.s32 $0x100, s2;
	[tilespmem:s28+$0x1400] =	vst v63  }
0xd9: {  	[hbm4b:s2+s29] =	stream.linear.scatter [tilespmem:s30], [sflag:$0x1], $0x800, $0x38;
	[tilespmem:$0x2400] =	vst v63  }
0xda: {  	_ =	swait.ge [sflag:s31], $0x800  }
0xdb: {  	[sflag:s31] =	ssyncset.done $0x0  }
0xdc: {  	[sflag:s31] =	ssyncadd.s32 $0xFFFFF800  }
0xdd: {  	_ =	swait.ge [sflag:s31], $0x800  }
0xde: {  	[sflag:s31] =	ssyncset.done $0x0  }
0xdf: {  	[sflag:s31] =	ssyncadd.s32 $0xFFFFF800  }
0xe0: {  	_ =	sfence.sel $0x180000  }
0xe1: {  	[bflag:$0x0] =	sbarrier.arrive $0xFFFF  }
0xe2: {  	p0 =	sne.s32 s1, $0x0;
	_ =	strace $0x90000047  }
0xe3: {  	s0 =	sadd.s32 @!p0 $0x100000, s0;
	[bflag:$0x2] =	sbarrier.arrive $0xFFFF  }
0xe4: {  	[sflag:s0] =	ssyncadd.tile.s32 @!p0 $0x1;
	_ =	shalt  }
.Lfunc_end2:
_tile_overlayer_lowered:
.L_overlay_start_2:
0xe5: {  	(tag) =	ssettag $0x2  }
0xe6: {  	s0 =	rddreg [dreg:$0x0];
	s2 =	stileid.u32  }
0xe7: {  	s1 =	rddreg [dreg:$0x1];
	p0 =	sne.s32 s2, $0x0  }
0xe8: {  	s3 =	rddreg [dreg:$0x2];
	[bflag:$0x3] =	sbarrier.arrive $0xFFFF;
	s2 =	simm.s32 @!p0 $0x1C02  }
0xe9: {  	[timem:s3], [sflag:s2] =	dma.local @!p0 [hbm:s0], s1  }
0xea: {  	s0 =	simm.s32 @!p0 $0x2  }
0xeb: {  	_ =	swait.ge @!p0 [sflag:s0], s1  }
0xec: {  	s1 =	ssub.s32 @!p0 $0x0, s1;
	[sflag:s0] =	ssyncset.done @!p0 $0x0  }
0xed: {  	[sflag:s0] =	ssyncadd.s32 @!p0 s1  }
0xee: {  	[bflag:$0x3] =	sbarrier.arrive $0xFFFF  }
0xef: {  	_ =	shalt  }

</sc_bundles>
